<compile_context>
chip_gen: v7x
topology: tpu7x:2x2x1
jax: 0.10.2.dev20260603
libtpu: 0.0.44.dev20260713+nightly
codegen_flags: <defaults>
</compile_context>

<pallas_src>
import functools

import jax
import jax.numpy as jnp
from jax import lax
from jax.experimental import pallas as pl
from jax.experimental.pallas import tpu as pltpu, tpu_sc as plsc

_NUM_STYLES = 1000
_DIM = 64
_BATCH = 16384

_NC = 2
_NS = 16
_NW = _NC * _NS
_BPW = _BATCH // _NW
_CHUNK = 64
_NCHUNK = _BPW // _CHUNK


def _emb_body(idx_hbm, table_hbm, out_hbm, table_s, idx_v, rows_v, gsem, osem):
    cid = lax.axis_index("c")
    sid = lax.axis_index("s")
    base = (sid * _NC + cid) * _BPW

    @pl.when(sid == 0)
    def _stage_table():
        pltpu.sync_copy(table_hbm, table_s)

    pltpu.sync_copy(idx_hbm.at[pl.ds(base, _BPW)], idx_v)
    plsc.subcore_barrier()

    @pl.loop(0, _NCHUNK)
    def _gather(j):
        pltpu.async_copy(
            table_s.at[idx_v.at[pl.ds(j * _CHUNK, _CHUNK)]],
            rows_v.at[pl.ds(j * _CHUNK, _CHUNK)],
            gsem,
        )

    @pl.loop(0, _NCHUNK)
    def _drain(j):
        pltpu.make_async_copy(
            table_s.at[idx_v.at[pl.ds(j * _CHUNK, _CHUNK)]],
            rows_v.at[pl.ds(j * _CHUNK, _CHUNK)],
            gsem,
        ).wait()
        pltpu.async_copy(
            rows_v.at[pl.ds(j * _CHUNK, _CHUNK)],
            out_hbm.at[pl.ds(base + j * _CHUNK, _CHUNK), pl.ds(0, _DIM)],
            osem,
        )

    @pl.loop(0, _NCHUNK)
    def _finish(j):
        pltpu.make_async_copy(
            rows_v.at[pl.ds(j * _CHUNK, _CHUNK)],
            out_hbm.at[pl.ds(base + j * _CHUNK, _CHUNK), pl.ds(0, _DIM)],
            osem,
        ).wait()


_emb = functools.partial(
    pl.kernel,
    out_type=jax.ShapeDtypeStruct((_BATCH, 2 * _DIM), jnp.float32),
    mesh=plsc.VectorSubcoreMesh(core_axis_name="c", subcore_axis_name="s"),
    scratch_types=[
        pltpu.VMEM_SHARED((_NUM_STYLES, _DIM), jnp.float32),
        pltpu.VMEM((_BPW,), jnp.int32),
        pltpu.VMEM((_BPW, _DIM), jnp.float32),
        pltpu.SemaphoreType.DMA,
        pltpu.SemaphoreType.DMA,
    ],
    compiler_params=pltpu.CompilerParams(
        use_tc_tiling_on_sc=False, needs_layout_passes=False
    ),
)(_emb_body)


def kernel(style_id, embed_weight):
    padded = _emb(style_id.astype(jnp.int32), embed_weight)
    return lax.slice(padded, (0, 0), (_BATCH, _DIM))

# --- scband reference (transcript-rebuilt; emitter-appended) ---
"""Pipeline reference for scband-style-embedding-24335284699202 (READ-ONLY COPY).

The authoritative reference and input builder live on the scoring server;
editing this copy changes nothing except your own understanding.
"""

import jax, jax.numpy as jnp
import numpy as np

NUM_STYLES = 1000
STYLE_DIM = 64
BATCH = 16384

def setup_inputs(seed: int = 0) -> dict:
    key = jax.random.key(seed)
    k_idx, k_tab = jax.random.split(key)
    style_id = jax.random.randint(k_idx, (BATCH,), 0, NUM_STYLES, dtype=jnp.int64 if jax.config.jax_enable_x64 else jnp.int32)
    embed_weight = jax.random.normal(k_tab, (NUM_STYLES, STYLE_DIM), dtype=jnp.float32)
    return {"style_id": style_id, "embed_weight": embed_weight}

def reference(style_id, embed_weight):
    # nn.Embedding forward: gather rows of the table by index
    return jnp.take(embed_weight, style_id, axis=0)

if __name__ == "__main__":
    import jax
    _d = setup_inputs()
    print(jax.jit(kernel)(*tuple(_d.values())))

</pallas_src>

<mosaic_0001>
#map = affine_map<(d0, d1) -> (0)>
#map1 = affine_map<(d0, d1) -> (0, 0)>
module attributes {stable_mosaic.version = 14 : i64} {
  func.func @_emb_body(%arg0: i32, %arg1: i32, %arg2: memref<16384xi32, #tpu.memory_space<hbm>>, %arg3: memref<1000x64xf32, #tpu.memory_space<hbm>>, %arg4: memref<16384x128xf32, #tpu.memory_space<hbm>>, %arg5: memref<1000x64xf32, #tpu.memory_space<vmem_shared>>, %arg6: memref<512xi32, #tpu.memory_space<vmem>>, %arg7: memref<512x64xf32, #tpu.memory_space<vmem>>, %arg8: memref<!tpu.dma_semaphore, #tpu.memory_space<semaphore_mem>>, %arg9: memref<!tpu.dma_semaphore, #tpu.memory_space<semaphore_mem>>) attributes {dimension_semantics = [#tpu.dimension_semantics<core_parallel>, #tpu.dimension_semantics<subcore_parallel>], iteration_bounds = array<i64: 2, 16>, scalar_prefetch = 0 : i64, scratch_operands = 5 : i64, tpu.core_type = #tpu.core_type<sc_vector_subcore>, window_params = [{transform_indices = #map}, {transform_indices = #map1}, {transform_indices = #map1}]} {
    %mul3A = arith.constant 2 : i32
    %mul3A_0 = arith.muli %arg1, %mul3A : i32
    %add3A = arith.addi %mul3A_0, %arg0 : i32
    %mul3A_1 = arith.constant 512 : i32
    %mul3A_2 = arith.muli %add3A, %mul3A_1 : i32
    %eq3A = arith.constant 0 : i32
    %eq3A_3 = arith.cmpi eq, %arg1, %eq3A : i32
    %convert_element_type3A = arith.extui %eq3A_3 : i1 to i32
    %cond3A = arith.constant 0 : i32
    %cond3A_4 = arith.cmpi ne, %convert_element_type3A, %cond3A : i32
    scf.if %cond3A_4 {
      "tpu.region"() ({
        %run_scoped3A = tpu.sem_alloc : memref<!tpu.dma_semaphore, #tpu.memory_space<semaphore_mem>>
        tpu.enqueue_dma source(%arg3 : memref<1000x64xf32, #tpu.memory_space<hbm>>) target(%arg5 : memref<1000x64xf32, #tpu.memory_space<vmem_shared>>) target_semaphore(%run_scoped3A : memref<!tpu.dma_semaphore, #tpu.memory_space<semaphore_mem>>)
        tpu.wait_dma2 semaphore(%run_scoped3A : memref<!tpu.dma_semaphore, #tpu.memory_space<semaphore_mem>>) src(%arg3 : memref<1000x64xf32, #tpu.memory_space<hbm>>) dst(%arg5 : memref<1000x64xf32, #tpu.memory_space<vmem_shared>>)
        tpu.yield
      }) : () -> ()
    } else {
    }
    "tpu.region"() ({
      %run_scoped3A = tpu.sem_alloc : memref<!tpu.dma_semaphore, #tpu.memory_space<semaphore_mem>>
      %dma_start3A = tpu.memref_slice %arg2[%mul3A_2] : memref<16384xi32, #tpu.memory_space<hbm>> -> memref<512xi32, #tpu.memory_space<hbm>>
      %dma_start3A_19 = tpu.memref_slice %arg2[%mul3A_2] : memref<16384xi32, #tpu.memory_space<hbm>> -> memref<512xi32, #tpu.memory_space<hbm>>
      tpu.enqueue_dma source(%dma_start3A_19 : memref<512xi32, #tpu.memory_space<hbm>>) target(%arg6 : memref<512xi32, #tpu.memory_space<vmem>>) target_semaphore(%run_scoped3A : memref<!tpu.dma_semaphore, #tpu.memory_space<semaphore_mem>>)
      %dma_wait3A = tpu.memref_slice %arg2[%mul3A_2] : memref<16384xi32, #tpu.memory_space<hbm>> -> memref<512xi32, #tpu.memory_space<hbm>>
      %dma_wait3A_20 = tpu.memref_slice %arg2[%mul3A_2] : memref<16384xi32, #tpu.memory_space<hbm>> -> memref<512xi32, #tpu.memory_space<hbm>>
      tpu.wait_dma2 semaphore(%run_scoped3A : memref<!tpu.dma_semaphore, #tpu.memory_space<semaphore_mem>>) src(%dma_wait3A_20 : memref<512xi32, #tpu.memory_space<hbm>>) dst(%arg6 : memref<512xi32, #tpu.memory_space<vmem>>)
      tpu.yield
    }) : () -> ()
    %barrier3A = arith.constant 0 : index
    tpu.barrier barrier_id(%barrier3A)
    %scan3A = arith.constant 0 : i32
    %scan3A_5 = arith.constant 8 : i32
    %scan3A_6 = arith.addi %scan3A, %scan3A_5 : i32
    %scan3A_7 = arith.constant 1 : i32
    scf.for %scan3A_19 = %scan3A to %scan3A_6 step %scan3A_7  : i32 {
      %mul3A_20 = arith.constant 1 : i32
      %mul3A_21 = arith.muli %scan3A_19, %mul3A_20 : i32
      %add3A_22 = arith.constant 0 : i32
      %add3A_23 = arith.addi %add3A_22, %mul3A_21 : i32
      %mul3A_24 = arith.constant 64 : i32
      %mul3A_25 = arith.muli %add3A_23, %mul3A_24 : i32
      %mul3A_26 = arith.constant 64 : i32
      %mul3A_27 = arith.muli %add3A_23, %mul3A_26 : i32
      %dma_start3A = arith.constant 0 : i32
      %dma_start3A_28 = tpu.memref_slice %arg7[%mul3A_27, %dma_start3A] : memref<512x64xf32, #tpu.memory_space<vmem>> -> memref<64x64xf32, #tpu.memory_space<vmem>>
      %dma_start3A_29 = tpu.memref_slice %arg6[%mul3A_25] : memref<512xi32, #tpu.memory_space<vmem>> -> memref<64xi32, #tpu.memory_space<vmem>>
      %dma_start3A_30 = arith.constant 0 : i32
      %dma_start3A_31 = arith.constant 0 : i32
      %dma_start3A_32 = tpu.memref_slice %arg5[%dma_start3A_30, %dma_start3A_31] : memref<1000x64xf32, #tpu.memory_space<vmem_shared>> -> memref<1000x64xf32, #tpu.memory_space<vmem_shared>>
      tpu.enqueue_indirect_dma source(%dma_start3A_32 : memref<1000x64xf32, #tpu.memory_space<vmem_shared>>) target(%dma_start3A_28 : memref<64x64xf32, #tpu.memory_space<vmem>>) offsets(%dma_start3A_29 : memref<64xi32, #tpu.memory_space<vmem>>) semaphore(%arg8 : memref<!tpu.dma_semaphore, #tpu.memory_space<semaphore_mem>>)
    }
    %scan3A_8 = arith.constant 8 : i32
    %scan3A_9 = arith.constant 0 : i32
    %scan3A_10 = arith.constant 8 : i32
    %scan3A_11 = arith.addi %scan3A_9, %scan3A_10 : i32
    %scan3A_12 = arith.constant 1 : i32
    scf.for %scan3A_19 = %scan3A_9 to %scan3A_11 step %scan3A_12  : i32 {
      %mul3A_20 = arith.constant 1 : i32
      %mul3A_21 = arith.muli %scan3A_19, %mul3A_20 : i32
      %add3A_22 = arith.constant 0 : i32
      %add3A_23 = arith.addi %add3A_22, %mul3A_21 : i32
      %mul3A_24 = arith.constant 64 : i32
      %mul3A_25 = arith.muli %add3A_23, %mul3A_24 : i32
      %mul3A_26 = arith.constant 64 : i32
      %mul3A_27 = arith.muli %add3A_23, %mul3A_26 : i32
      %dma_wait3A = arith.constant 0 : i32
      %dma_wait3A_28 = tpu.memref_slice %arg7[%mul3A_27, %dma_wait3A] : memref<512x64xf32, #tpu.memory_space<vmem>> -> memref<64x64xf32, #tpu.memory_space<vmem>>
      %dma_wait3A_29 = tpu.memref_slice %arg6[%mul3A_25] : memref<512xi32, #tpu.memory_space<vmem>> -> memref<64xi32, #tpu.memory_space<vmem>>
      %dma_wait3A_30 = arith.constant 0 : i32
      %dma_wait3A_31 = arith.constant 0 : i32
      %dma_wait3A_32 = tpu.memref_slice %arg5[%dma_wait3A_30, %dma_wait3A_31] : memref<1000x64xf32, #tpu.memory_space<vmem_shared>> -> memref<1000x64xf32, #tpu.memory_space<vmem_shared>>
      tpu.wait_indirect_dma semaphore(%arg8 : memref<!tpu.dma_semaphore, #tpu.memory_space<semaphore_mem>>) src(%dma_wait3A_32 : memref<1000x64xf32, #tpu.memory_space<vmem_shared>>) dst(%dma_wait3A_28 : memref<64x64xf32, #tpu.memory_space<vmem>>)
      %mul3A_33 = arith.constant 64 : i32
      %mul3A_34 = arith.muli %add3A_23, %mul3A_33 : i32
      %mul3A_35 = arith.constant 64 : i32
      %mul3A_36 = arith.muli %add3A_23, %mul3A_35 : i32
      %add3A_37 = arith.addi %mul3A_2, %mul3A_36 : i32
      %dma_start3A = arith.constant 0 : i32
      %dma_start3A_38 = tpu.memref_slice %arg7[%mul3A_34, %dma_start3A] : memref<512x64xf32, #tpu.memory_space<vmem>> -> memref<64x64xf32, #tpu.memory_space<vmem>>
      %dma_start3A_39 = arith.constant 0 : i32
      %dma_start3A_40 = tpu.memref_slice %arg4[%add3A_37, %dma_start3A_39] : memref<16384x128xf32, #tpu.memory_space<hbm>> -> memref<64x64xf32, #tpu.memory_space<hbm>>
      %dma_start3A_41 = arith.constant 0 : i32
      %dma_start3A_42 = tpu.memref_slice %arg4[%add3A_37, %dma_start3A_41] : memref<16384x128xf32, #tpu.memory_space<hbm>> -> memref<64x64xf32, #tpu.memory_space<hbm>>
      %dma_start3A_43 = arith.constant 0 : i32
      %dma_start3A_44 = tpu.memref_slice %arg7[%mul3A_34, %dma_start3A_43] : memref<512x64xf32, #tpu.memory_space<vmem>> -> memref<64x64xf32, #tpu.memory_space<vmem>>
      tpu.enqueue_dma source(%dma_start3A_44 : memref<64x64xf32, #tpu.memory_space<vmem>>) target(%dma_start3A_42 : memref<64x64xf32, #tpu.memory_space<hbm>>) target_semaphore(%arg9 : memref<!tpu.dma_semaphore, #tpu.memory_space<semaphore_mem>>)
    }
    %scan3A_13 = arith.constant 8 : i32
    %scan3A_14 = arith.constant 0 : i32
    %scan3A_15 = arith.constant 8 : i32
    %scan3A_16 = arith.addi %scan3A_14, %scan3A_15 : i32
    %scan3A_17 = arith.constant 1 : i32
    scf.for %scan3A_19 = %scan3A_14 to %scan3A_16 step %scan3A_17  : i32 {
      %mul3A_20 = arith.constant 1 : i32
      %mul3A_21 = arith.muli %scan3A_19, %mul3A_20 : i32
      %add3A_22 = arith.constant 0 : i32
      %add3A_23 = arith.addi %add3A_22, %mul3A_21 : i32
      %mul3A_24 = arith.constant 64 : i32
      %mul3A_25 = arith.muli %add3A_23, %mul3A_24 : i32
      %mul3A_26 = arith.constant 64 : i32
      %mul3A_27 = arith.muli %add3A_23, %mul3A_26 : i32
      %add3A_28 = arith.addi %mul3A_2, %mul3A_27 : i32
      %dma_wait3A = arith.constant 0 : i32
      %dma_wait3A_29 = tpu.memref_slice %arg7[%mul3A_25, %dma_wait3A] : memref<512x64xf32, #tpu.memory_space<vmem>> -> memref<64x64xf32, #tpu.memory_space<vmem>>
      %dma_wait3A_30 = arith.constant 0 : i32
      %dma_wait3A_31 = tpu.memref_slice %arg4[%add3A_28, %dma_wait3A_30] : memref<16384x128xf32, #tpu.memory_space<hbm>> -> memref<64x64xf32, #tpu.memory_space<hbm>>
      %dma_wait3A_32 = arith.constant 0 : i32
      %dma_wait3A_33 = tpu.memref_slice %arg4[%add3A_28, %dma_wait3A_32] : memref<16384x128xf32, #tpu.memory_space<hbm>> -> memref<64x64xf32, #tpu.memory_space<hbm>>
      %dma_wait3A_34 = arith.constant 0 : i32
      %dma_wait3A_35 = tpu.memref_slice %arg7[%mul3A_25, %dma_wait3A_34] : memref<512x64xf32, #tpu.memory_space<vmem>> -> memref<64x64xf32, #tpu.memory_space<vmem>>
      tpu.wait_dma2 semaphore(%arg9 : memref<!tpu.dma_semaphore, #tpu.memory_space<semaphore_mem>>) src(%dma_wait3A_35 : memref<64x64xf32, #tpu.memory_space<vmem>>) dst(%dma_wait3A_33 : memref<64x64xf32, #tpu.memory_space<hbm>>)
    }
    %scan3A_18 = arith.constant 8 : i32
    return
  }
}

</mosaic_0001>

<sc_bundles>
// kernel: kernel.3.cloned.1.call-start
scs
__scs_entry_jumppad:
0x0: {  	(pc) =	sbr.rel $0x88, $3  }
0x1: {  	(tag) =	ssettag $0x0;
	lr =	simm.s32 $0x1  }
0x2: {  	[smem:$0x3F9F] =	sst lr;
	_ =	strace $0xD0000000  }
0x3: {  	_ = 	snop  }
0x4: {  	_ = 	snop  }
0x5: {  	_ = 	snop  }
0x6: {  	_ = 	snop  }
0x7: {  	_ = 	snop  }
__scs_overlays_trampoline_lowered:
0x8: {  	[smem:$0x3FAE] =	sst s0  }
0x9: {  	[smem:$0x3FAF] =	sst s1  }
0xa: {  	[smem:$0x3FB0] =	sst s2  }
0xb: {  	[smem:$0x3FB1] =	sst s3  }
0xc: {  	[smem:$0x3FB2] =	sst s4  }
0xd: {  	[smem:$0x3FB3] =	sst s5  }
0xe: {  	[smem:$0x3FB4] =	sst s6  }
0xf: {  	[smem:$0x3FB5] =	sst s7  }
0x10: {  	[smem:$0x3FB6] =	sst s8  }
0x11: {  	[smem:$0x3FB7] =	sst s9;
	s0 =	simm.s32 @!p0 $0x0  }
0x12: {  	s1 =	sld [smem:$0x3F9D];
	s0 =	simm.s32 @p0 $0x1  }
0x13: {  	[smem:$0x3FB8] =	sst s0;
	s0 =	simm.s32 @!p1 $0x0  }
0x14: {  	s2 =	sld [smem:$0x3F9C];
	s0 =	simm.s32 @p1 $0x1  }
0x15: {  	[smem:$0x3FB9] =	sst s0;
	s0 =	simm.s32 @!p2 $0x0  }
0x16: {  	s3 =	sld [smem:$0x3FDB];
	s0 =	simm.s32 @p2 $0x1  }
0x17: {  	s4 =	simm.s32 $0x1BF5;
	[smem:$0x3FBB] =	sst s0  }
0x18: {  	s0 =	sld [smem:$0x3F9E];
	_ =	swait.ge [sflag:s4], $0x0  }
0x19: {  	s7 =	sld [smem:$0x3F9F]  }
0x1a: {  	s8 =	sadd.s32 $0xFFFFE003, lr  }
0x1b: {  	s9 =	sadd.s32 $0xFFFFFEF7, lr;
	s5 =	simm.s32 $0xFFFFFFFF;
	p2 =	slt.u32 s8, $0xFFFFF086  }
0x1c: {  	p1 =	slt.u32 s9, $0xF7A;
	s5 =	simm.s32 @!p2 $0x0  }
0x1d: {  	s5 =	simm.s32 @p1 $0x1;
	p0 =	seq.s32 s7, s2  }
0x1e: {  	s7 =	smul.u32 @!p0 $0xF7A, s2;
	p2 =	seq.s32 @!p0 s5, $0x0  }
0x1f: {  	s9 =	smul.u32 $0xF7A, s1;
	s8 =	simm.s32 @!p0 $0x1BF5;
	p2 =	por !p2, p0  }
0x20: {  	[sflag:s8] =	ssyncset.s32 @!p0 $0xFFFFF086;
	s6 =	sadd.s32 @!p0 s3, s7;
	s7 =	simm.s32 @!p0 $0x108  }
0x21: {  	s3 =	sadd.s32 s3, s9;
	s6 =	sadd.s32 @!p0 $0x88, s6;
	s7 =	simm.s32 @p2 $0x1082  }
0x22: {  	[simem:s7], [sflag:s8] =	dma.local @!p0 [hbm:s6], $0xF7A  }
0x23: {  	s9 =	sor.u32 $0xD0000000, s2;
	s6 =	simm.s32 $0x108;
	_ =	swait.ge @!p0 [sflag:s8], $0x0  }
0x24: {  	s3 =	sadd.s32 $0x88, s3;
	s6 =	simm.s32 @!p1 $0x1082;
	[sflag:s4] =	ssyncset.s32 $0xFFFFF086  }
0x25: {  	[simem:s6], [sflag:s4] =	dma.local [hbm:s3], $0xF7A  }
0x26: {  	[smem:$0x3F9F] =	sst s1;
	(tag) =	ssettag s2;
	_ =	strace s9  }
0x27: {  	s1 =	sld [smem:$0x3FAF]  }
0x28: {  	s2 =	sld [smem:$0x3FB0]  }
0x29: {  	s4 =	sld [smem:$0x3FB2]  }
0x2a: {  	p0 =	seq.s32 s5, $0x0;
	s5 =	sld [smem:$0x3FB3]  }
0x2b: {  	s6 =	sld [smem:$0x3FB4]  }
0x2c: {  	s7 =	sld [smem:$0x3FB5]  }
0x2d: {  	s3 =	simm.s32 $0x108;
	s8 =	sld [smem:$0x3FB6]  }
0x2e: {  	s3 =	simm.s32 @!p0 $0x1082;
	s9 =	sld [smem:$0x3FB7]  }
0x2f: {  	lr =	sadd.s32 s0, s3;
	s0 =	sld [smem:$0x3FAE]  }
0x30: {  	s3 =	sld [smem:$0x3FB1]  }
0x31: {  	[smem:$0x3FBA] =	sst s10  }
0x32: {  	s10 =	sld [smem:$0x3FB8];
	_ =	sdelay $0x3  }
0x33: {  	p0 =	seq.s32 s10, $0x1;
	s10 =	sld [smem:$0x3FBA];
	_ =	sdelay $0x3  }
0x34: {  	[smem:$0x3FBA] =	sst s10  }
0x35: {  	s10 =	sld [smem:$0x3FB9];
	_ =	sdelay $0x3  }
0x36: {  	p1 =	seq.s32 s10, $0x1;
	s10 =	sld [smem:$0x3FBA];
	_ =	sdelay $0x3  }
0x37: {  	[smem:$0x3FBA] =	sst s10  }
0x38: {  	s10 =	sld [smem:$0x3FBB]  }
0x39: {  	_ = 	snop;
	(pc) =	sbr.ind lr, $3  }
0x3a: {  	_ = 	snop  }
0x3b: {  	_ = 	snop  }
0x3c: {  	p2 =	seq.s32 s10, $0x1;
	s10 =	sld [smem:$0x3FBA]  }
0x3d: {  	_ =	shalt  }
0x3e: {  	_ =	shalt  }
0x3f: {  	_ =	shalt  }
0x40: {  	_ =	shalt  }
0x41: {  	_ =	shalt  }
0x42: {  	_ =	shalt  }
0x43: {  	_ =	shalt  }
0x44: {  	_ =	shalt  }
0x45: {  	_ =	shalt  }
0x46: {  	_ =	shalt  }
0x47: {  	_ =	shalt  }
0x48: {  	_ =	shalt  }
0x49: {  	_ =	shalt  }
0x4a: {  	_ =	shalt  }
0x4b: {  	_ =	shalt  }
0x4c: {  	_ =	shalt  }
0x4d: {  	_ =	shalt  }
0x4e: {  	_ =	shalt  }
0x4f: {  	_ =	shalt  }
0x50: {  	_ =	shalt  }
0x51: {  	_ =	shalt  }
0x52: {  	_ =	shalt  }
0x53: {  	_ =	shalt  }
0x54: {  	_ =	shalt  }
0x55: {  	_ =	shalt  }
0x56: {  	_ =	shalt  }
0x57: {  	_ =	shalt  }
0x58: {  	_ =	shalt  }
0x59: {  	_ =	shalt  }
0x5a: {  	_ =	shalt  }
0x5b: {  	_ =	shalt  }
0x5c: {  	_ =	shalt  }
0x5d: {  	_ =	shalt  }
0x5e: {  	_ =	shalt  }
0x5f: {  	_ =	shalt  }
0x60: {  	_ =	shalt  }
0x61: {  	_ =	shalt  }
0x62: {  	_ =	shalt  }
0x63: {  	_ =	shalt  }
0x64: {  	_ =	shalt  }
0x65: {  	_ =	shalt  }
0x66: {  	_ =	shalt  }
0x67: {  	_ =	shalt  }
0x68: {  	_ =	shalt  }
0x69: {  	_ =	shalt  }
0x6a: {  	_ =	shalt  }
0x6b: {  	_ =	shalt  }
0x6c: {  	_ =	shalt  }
0x6d: {  	_ =	shalt  }
0x6e: {  	_ =	shalt  }
0x6f: {  	_ =	shalt  }
0x70: {  	_ =	shalt  }
0x71: {  	_ =	shalt  }
0x72: {  	_ =	shalt  }
0x73: {  	_ =	shalt  }
0x74: {  	_ =	shalt  }
0x75: {  	_ =	shalt  }
0x76: {  	_ =	shalt  }
0x77: {  	_ =	shalt  }
0x78: {  	_ =	shalt  }
0x79: {  	_ =	shalt  }
0x7a: {  	_ =	shalt  }
0x7b: {  	_ =	shalt  }
0x7c: {  	_ =	shalt  }
0x7d: {  	_ =	shalt  }
0x7e: {  	_ =	shalt  }
0x7f: {  	_ =	shalt  }
0x80: {  	_ =	shalt  }
0x81: {  	_ =	shalt  }
0x82: {  	_ =	shalt  }
0x83: {  	_ =	shalt  }
0x84: {  	_ =	shalt  }
0x85: {  	_ =	shalt  }
0x86: {  	_ =	shalt  }
0x87: {  	_ =	shalt  }
.Lfunc_end0:
.L_simem_size_0:
called_computation_lowered:
.L_overlay_start_0:
0x88: {  	s2 =	sld [smem:$0x3FD9]  }
0x89: {  	s3 =	sld [smem:$0x3FFE];
	_ =	sdelay $0x1  }
0x8a: {  	s1 =	srdreg.scid  }
0x8b: {  	s0 =	sand.u32 $0x1, s1  }
0x8c: {  	s17 =	sshll.u32 s0, $0xA;
	s2 =	sadd.s32 s3, s2  }
0x8d: {  	s2 =	sadd.s32 s2, s17  }
0x8e: {  	[smem:$0x3FC6] =	sst s2  }
0x8f: {  	_ = 	snop  }
0x90: {  	s2 =	sld [smem:$0x3FC9]  }
0x91: {  	s18 =	sld [smem:$0x3FD0];
	(tm) =	ssettm $0x1  }
0x92: {  	s4 =	sld [smem:$0x3FFB];
	_ =	sdelay $0x3  }
0x93: {  	_ =	strace s4  }
0x94: {  	s4 =	sld [smem:$0x3FFC];
	_ =	sdelay $0x3  }
0x95: {  	_ =	strace s4  }
0x96: {  	s4 =	sld [smem:$0x3FFD];
	_ =	sdelay $0x3  }
0x97: {  	_ =	strace s4  }
0x98: {  	_ =	strace $0x8FFFFFFF  }
0x99: {  	s19 =	sld [smem:$0x3FDB];
	_ =	sdelay $0x1  }
0x9a: {  	s5 =	simm.s32 $_scs_section_size  }
0x9b: {  	s6 =	simm.s32 $_size__tile_overlayer_lowered;
	s7 =	simm.s32 $_tile_overlayer_lowered  }
0x9c: {  	s22 =	simm.s32 $0x1BFF;
	s21 =	sshll.u32 s7, $0x1;
	s4 =	sadd.s32 s5, s19  }
0x9d: {  	s8 =	simm.s32 $0x0;
	s20 =	sshll.u32 s6, $0x1;
	s6 =	sadd.s32 s21, s4  }
0x9e: {  	[timem:s8], [sflag:s22] =	dma.local [hbm:s6], s20  }
0x9f: {  	_ =	swait.ge [sflag:s22], s20  }
0xa0: {  	s5 =	ssub.s32 $0x0, s20;
	[sflag:s22] =	ssyncset.done $0x0  }
0xa1: {  	[sflag:s22] =	ssyncadd.s32 s5;
	_ =	sdelay $0x1  }
0xa2: {  	s23 =	simm.s32 $0x1B8B  }
0xa3: {  	_ =	swait.ge [sflag:s23], $0x1  }
0xa4: {  	[sflag:s23] =	ssyncset.done $0x0  }
0xa5: {  	s25 =	simm.s32 $0x1B8E;
	s24 =	sld [smem:$0x3FFE];
	[sflag:s23] =	ssyncadd.s32 $0xFFFFFFFF  }
0xa6: {  	s26 =	simm.s32 $execute0_lowered;
	[smem:$0x3FD2] =	sst s25  }
0xa7: {  	s6 =	sshll.u32 s26, $0x1;
	_ =	strace $0x80000046;
	[dreg:$0x1] =	wrdreg $0xFFFFFFFF  }
0xa8: {  	s28 =	simm.s32 $_size_execute0_lowered;
	s4 =	sadd.s32 s4, s6;
	[dreg:$0x0] =	wrdreg $0x0  }
0xa9: {  	s6 =	sshll.u32 s28, $0x1;
	[dreg:$0x2] =	wrdreg s4  }
0xaa: {  	[dreg:$0x3] =	wrdreg s6  }
0xab: {  	[dreg:$0x4] =	wrdreg $0xC0  }
0xac: {  	_ =	task [dreg:s8], $0x5FFFF  }
0xad: {  	[dreg:$0x1] =	wrdreg $0xFFFFFFFF  }
0xae: {  	[dreg:$0x0] =	wrdreg $0x60  }
0xaf: {  	[dreg:$0x2] =	wrdreg s2  }
0xb0: {  	[dreg:$0x3] =	wrdreg s18  }
0xb1: {  	[dreg:$0x4] =	wrdreg s24  }
0xb2: {  	[dreg:$0x5] =	wrdreg $0x0  }
0xb3: {  	[dreg:$0x6] =	wrdreg $0x9  }
0xb4: {  	_ =	task.clear_ibuf [dreg:s8], $0x7FFFF;
	_ =	strace $0x90000046  }
0xb5: {  	s29 =	simm.s32 $0x9;
	_ =	strace $0x80000048  }
0xb6: {  	_ =	swait.ge [sflag:s29], $0x1  }
0xb7: {  	[sflag:s29] =	ssyncadd.s32 $0xFFFFFFFF  }
0xb8: {  	_ =	strace $0x90000048  }
0xb9: {  	_ =	sfence  }
0xba: {  	s30 =	sld [smem:$0x0];
	_ =	sdelay $0x2  }
0xbb: {  	s31 =	sshll.u32 s1, $0xD;
	s1 =	sshrl.u32 s1, $0x2  }
0xbc: {  	s3 =	sand.u32 $0x4000, s31;
	s1 =	sadd.s32 s1, s30  }
0xbd: {  	s0 =	sor.u32 s3, s0;
	s1 =	sshll.u32 s1, $0x11  }
0xbe: {  	s0 =	sor.u32 s1, s0  }
0xbf: {  	s0 =	sadd.s32 $0x8F2B, s0  }
0xc0: {  	[sflag:s0] =	ssyncadd.remote.s32 $0x1  }
0xc1: {  	_ =	sfence.sel $0xFFFF  }
0xc2: {  	[dreg:$0x0] =	wrdreg $0xFFFFFFFF;
	(pc) =	sbr.abs _section_cstart, $3  }
0xc3: {  	[dreg:$0x1] =	wrdreg $0xFFFFFFFF  }
0xc4: {  	_ =	task.clear_ibuf [dreg:s8], $0x2FFFF;
	_ =	strace $0x9FFFFFFF  }
0xc5: {  	(tm) =	ssettm $0x7FFFFFFF  }
tec
execute0_lowered:
.L_overlay_start_1:
0x0: {  	(tag) =	ssettag $0x1  }
0x1: {  	s0 =	rddreg [dreg:$0x0]  }
0x2: {  	s1 =	rddreg [dreg:$0x1]  }
0x3: {  	s2 =	rddreg [dreg:$0x2]  }
0x4: {  	s21 =	srdreg.scid;
	s6 =	rddreg [dreg:$0x3]  }
0x5: {  	s4 =	stileid.u32;
	s30 =	rddreg [dreg:$0x4];
	s9 =	simm.s32 $0x0  }
0x6: {  	s18 =	simm.s32 $0xFA0;
	s19 =	simm.s32 $0x3;
	s17 =	simm.s32 $0x11A0  }
0x7: {  	s20 =	simm.s32 $0xFE0;
	s16 =	simm.s32 $0x21A0;
	s15 =	simm.s32 $0x31A0  }
0x8: {  	s14 =	simm.s32 $0x41A0;
	s13 =	simm.s32 $0x51A0;
	s10 =	simm.s32 $0x61A0  }
0x9: {  	s8 =	simm.s32 $0x71A0;
	s7 =	simm.s32 $0x81A0;
	p1 =	por $0x0, $0x0  }
0xa: {  	s12 =	simm.s32 $0x80;
	[dreg:$0x5] =	wrdreg s1;
	s1 =	sand.u32 $0x1, s21  }
0xb: {  	s3 =	sshll.u32 s4, $0xA;
	[smem:$0x7FF] =	sst s9;
	p0 =	sne.s32 s4, $0x0  }
0xc: {  	s4 =	simm.s32 $0x40;
	s21 =	simm.s32 $0x1020;
	s5 =	sshll.u32 s1, $0x9  }
0xd: {  	_ =	strace $0x80000047;
	s1 =	ssub.s32 $0x2, s1;
	s3 =	sor.u32 s5, s3  }
0xe: {  	s28 =	sshrl.u32 @!p0 s6, $0x3;
	s25 =	sshrl.u32 s1, $0x1;
	s5 =	sshll.u32 s3, $0x4  }
0xf: {  	s3 =	sshrl.u32 s3, $0x3;
	s1 =	ssub.s32 s1, s25;
	s25 =	simm.s32 $0x1120  }
0x10: {  	s2 =	sadd.s32 s5, s2;
	s0 =	sadd.s32 s0, s3;
	s11 =	smax.u32 s1, $0x1  }
0x11: {  	[dreg:$0x6] =	wrdreg s0;
	s22 =	sadd.s32 $0x400, s2;
	s23 =	sadd.s32 $0x800, s2  }
0x12: {  	s24 =	sadd.s32 $0xC00, s2;
	s31 =	sadd.s32 $0xFFFFFFFF, s11;
	s0 =	rddreg [dreg:$0x5]  }
0x13: {  	s26 =	sadd.s32 $0x1000, s2;
	[dreg:$0x7] =	wrdreg s22;
	p2 =	sne.s32 s31, $0x0  }
.Ltmp0:
0x14: {  	s29 =	sadd.s32 $0x1400, s2;
	[dreg:$0x8] =	wrdreg s23;
	(pc) =	sbr.rel @!p2 .LBB2_5-.Ltmp0, $4  }
0x15: {  	s5 =	sadd.s32 $0x1800, s2;
	s3 =	sadd.s32 $0x1C00, s2;
	[dreg:$0x9] =	wrdreg s24  }
0x16: {  	s1 =	sadd.s32 $0x2000, s2;
	s11 =	simm.s32 $0x1;
	[dreg:$0xa] =	wrdreg s26  }
0x17: {  	s2 =	simm.s32 $0x2;
	[dreg:$0xb] =	wrdreg s29;
	s22 =	simm.s32 $0x1060  }
0x18: {  	s23 =	simm.s32 $0x10A0;
	s24 =	simm.s32 $0x10E0;
	s26 =	simm.s32 $0x1160  }
0x19: {  	s29 =	simm.s32 @!p0 $0x1C03;
	s30 =	simm.s32 @!p0 $0x3  }
0x1a: {  	[spmem:s28], [sflag:s29] =	dma.local @!p0 [hbm:s0], $0x1F40  }
0x1b: {  	_ =	swait.ge @!p0 [sflag:s30], $0x1F40  }
0x1c: {  	[sflag:s30] =	ssyncset.done @!p0 $0x0  }
0x1d: {  	s0 =	rddreg [dreg:$0x6];
	[sflag:s30] =	ssyncadd.s32 @!p0 $0xFFFFE0C0  }
0x1e: {  	[tilespmem:s18], [sflag:$0x3] =	stream.linear.gather [hbm4b:s0+s9], $0x200, $0x38;
	[tilespmem:$0x91A0] =	vst v63  }
0x1f: {  	_ =	swait.ge [sflag:s19], $0x200  }
0x20: {  	[sflag:s19] =	ssyncset.done $0x0  }
0x21: {  	[sflag:s19] =	ssyncadd.s32 $0xFFFFFE00  }
0x22: {  	[bflag:$0x0] =	sbarrier.arrive $0xFFFF  }
0x23: {  	[tilespmem:s17], [sflag:$0x1] =	stream.indirect.gather [spmem:s6], $0x40, s18, s4, $0xb8;
	[tilespmem:$0x91A0] =	vst v63  }
0x24: {  	_ = 	snop  }
0x25: {  	[tilespmem:s16], [sflag:$0x1] =	stream.indirect.gather [spmem:s6], $0x40, s20, s4, $0xb8;
	[tilespmem:$0x91A0] =	vst v63  }
0x26: {  	_ = 	snop  }
0x27: {  	[tilespmem:s15], [sflag:$0x1] =	stream.indirect.gather [spmem:s6], $0x40, s21, s4, $0xb8;
	[tilespmem:$0x91A0] =	vst v63  }
0x28: {  	_ = 	snop  }
0x29: {  	[tilespmem:s14], [sflag:$0x1] =	stream.indirect.gather [spmem:s6], $0x40, s22, s4, $0xb8;
	[tilespmem:$0x91A0] =	vst v63  }
0x2a: {  	_ = 	snop  }
0x2b: {  	[tilespmem:s13], [sflag:$0x1] =	stream.indirect.gather [spmem:s6], $0x40, s23, s4, $0xb8;
	[tilespmem:$0x91A0] =	vst v63  }
0x2c: {  	_ = 	snop  }
0x2d: {  	[tilespmem:s10], [sflag:$0x1] =	stream.indirect.gather [spmem:s6], $0x40, s24, s4, $0xb8;
	[tilespmem:$0x91A0] =	vst v63  }
0x2e: {  	_ = 	snop  }
0x2f: {  	[tilespmem:s8], [sflag:$0x1] =	stream.indirect.gather [spmem:s6], $0x40, s25, s4, $0xb8;
	[tilespmem:$0x91A0] =	vst v63  }
0x30: {  	_ = 	snop  }
0x31: {  	[tilespmem:s7], [sflag:$0x1] =	stream.indirect.gather [spmem:s6], $0x40, s26, s4, $0xb8;
	[tilespmem:$0x91A0] =	vst v63  }
0x32: {  	_ =	swait.ge [sflag:s11], $0x1000  }
0x33: {  	[sflag:s11] =	ssyncset.done $0x0  }
0x34: {  	s0 =	rddreg [dreg:$0x7];
	[sflag:s11] =	ssyncadd.s32 $0xFFFFF000  }
0x35: {  	[hbm4b:s0+s4] =	stream.strided.scatter [tilespmem:s17], [sflag:$0x2], $0x1000, s12, s4, $0x38;
	[tilespmem:$0x91A0] =	vst v63  }
0x36: {  	_ =	swait.ge [sflag:s11], $0x1000  }
0x37: {  	[sflag:s11] =	ssyncset.done $0x0  }
0x38: {  	s0 =	rddreg [dreg:$0x8];
	[sflag:s11] =	ssyncadd.s32 $0xFFFFF000  }
0x39: {  	[hbm4b:s0+s4] =	stream.strided.scatter [tilespmem:s16], [sflag:$0x2], $0x1000, s12, s4, $0x38;
	[tilespmem:$0x91A0] =	vst v63  }
0x3a: {  	_ =	swait.ge [sflag:s11], $0x1000  }
0x3b: {  	[sflag:s11] =	ssyncset.done $0x0  }
0x3c: {  	s0 =	rddreg [dreg:$0x9];
	[sflag:s11] =	ssyncadd.s32 $0xFFFFF000  }
0x3d: {  	[hbm4b:s0+s4] =	stream.strided.scatter [tilespmem:s15], [sflag:$0x2], $0x1000, s12, s4, $0x38;
	[tilespmem:$0x91A0] =	vst v63  }
0x3e: {  	_ =	swait.ge [sflag:s11], $0x1000  }
0x3f: {  	[sflag:s11] =	ssyncset.done $0x0  }
0x40: {  	s0 =	rddreg [dreg:$0xa];
	[sflag:s11] =	ssyncadd.s32 $0xFFFFF000  }
0x41: {  	[hbm4b:s0+s4] =	stream.strided.scatter [tilespmem:s14], [sflag:$0x2], $0x1000, s12, s4, $0x38;
	[tilespmem:$0x91A0] =	vst v63  }
0x42: {  	_ =	swait.ge [sflag:s11], $0x1000  }
0x43: {  	[sflag:s11] =	ssyncset.done $0x0  }
0x44: {  	s0 =	rddreg [dreg:$0xb];
	[sflag:s11] =	ssyncadd.s32 $0xFFFFF000  }
0x45: {  	[hbm4b:s0+s4] =	stream.strided.scatter [tilespmem:s13], [sflag:$0x2], $0x1000, s12, s4, $0x38;
	[tilespmem:$0x91A0] =	vst v63  }
0x46: {  	_ =	swait.ge [sflag:s11], $0x1000  }
0x47: {  	[sflag:s11] =	ssyncset.done $0x0  }
0x48: {  	[sflag:s11] =	ssyncadd.s32 $0xFFFFF000  }
0x49: {  	[hbm4b:s5+s4] =	stream.strided.scatter [tilespmem:s10], [sflag:$0x2], $0x1000, s12, s4, $0x38;
	[tilespmem:$0x91A0] =	vst v63  }
0x4a: {  	_ =	swait.ge [sflag:s11], $0x1000  }
0x4b: {  	[sflag:s11] =	ssyncset.done $0x0  }
0x4c: {  	[sflag:s11] =	ssyncadd.s32 $0xFFFFF000  }
0x4d: {  	[hbm4b:s3+s4] =	stream.strided.scatter [tilespmem:s8], [sflag:$0x2], $0x1000, s12, s4, $0x38;
	[tilespmem:$0x91A0] =	vst v63  }
0x4e: {  	_ =	swait.ge [sflag:s11], $0x1000  }
0x4f: {  	[sflag:s11] =	ssyncset.done $0x0  }
0x50: {  	[sflag:s11] =	ssyncadd.s32 $0xFFFFF000  }
0x51: {  	[hbm4b:s1+s4] =	stream.strided.scatter [tilespmem:s7], [sflag:$0x2], $0x1000, s12, s4, $0x38;
	[tilespmem:$0x91A0] =	vst v63  }
0x52: {  	_ =	swait.ge [sflag:s2], $0x1000  }
0x53: {  	[sflag:s2] =	ssyncset.done $0x0  }
0x54: {  	[sflag:s2] =	ssyncadd.s32 $0xFFFFF000  }
0x55: {  	_ =	swait.ge [sflag:s2], $0x1000  }
0x56: {  	[sflag:s2] =	ssyncset.done $0x0  }
0x57: {  	[sflag:s2] =	ssyncadd.s32 $0xFFFFF000  }
0x58: {  	_ =	swait.ge [sflag:s2], $0x1000  }
0x59: {  	[sflag:s2] =	ssyncset.done $0x0  }
0x5a: {  	[sflag:s2] =	ssyncadd.s32 $0xFFFFF000  }
0x5b: {  	_ =	swait.ge [sflag:s2], $0x1000  }
0x5c: {  	[sflag:s2] =	ssyncset.done $0x0  }
0x5d: {  	[sflag:s2] =	ssyncadd.s32 $0xFFFFF000  }
0x5e: {  	_ =	swait.ge [sflag:s2], $0x1000  }
0x5f: {  	[sflag:s2] =	ssyncset.done $0x0  }
0x60: {  	[sflag:s2] =	ssyncadd.s32 $0xFFFFF000  }
0x61: {  	_ =	swait.ge [sflag:s2], $0x1000  }
0x62: {  	s31 =	sadd.s32 $0xFFFFFFFF, s31;
	[sflag:s2] =	ssyncset.done $0x0  }
0x63: {  	p2 =	sne.s32 s31, $0x0;
	[sflag:s2] =	ssyncadd.s32 $0xFFFFF000  }
.Ltmp1:
0x64: {  	_ =	swait.ge [sflag:s2], $0x1000;
	(pc) =	sbr.rel @!p2 .LBB2_2-.Ltmp1, $4  }
0x65: {  	[sflag:s2] =	ssyncset.done $0x0  }
0x66: {  	[sflag:s2] =	ssyncadd.s32 $0xFFFFF000  }
0x67: {  	_ =	swait.ge [sflag:s2], $0x1000  }
0x68: {  	p1 =	por $0x1, $0x1;
	s0 =	rddreg [dreg:$0x5];
	[sflag:s2] =	ssyncset.done $0x0  }
.LBB2_3:
0x69: {  	[sflag:s2] =	ssyncadd.s32 $0xFFFFF000  }
0x6a: {  	[spmem:s28], [sflag:s29] =	dma.local @!p0 [hbm:s0], $0x1F40  }
0x6b: {  	_ =	swait.ge @!p0 [sflag:s30], $0x1F40  }
0x6c: {  	[sflag:s30] =	ssyncset.done @!p0 $0x0  }
0x6d: {  	s0 =	rddreg [dreg:$0x6];
	[sflag:s30] =	ssyncadd.s32 @!p0 $0xFFFFE0C0  }
0x6e: {  	[tilespmem:s18], [sflag:$0x3] =	stream.linear.gather [hbm4b:s0+s9], $0x200, $0x38;
	[tilespmem:$0x91A0] =	vst v63  }
0x6f: {  	_ =	swait.ge [sflag:s19], $0x200  }
0x70: {  	[sflag:s19] =	ssyncset.done $0x0  }
0x71: {  	[sflag:s19] =	ssyncadd.s32 $0xFFFFFE00  }
0x72: {  	[bflag:$0x0] =	sbarrier.arrive $0xFFFF  }
0x73: {  	[tilespmem:s17], [sflag:$0x1] =	stream.indirect.gather [spmem:s6], $0x40, s18, s4, $0xb8;
	[tilespmem:$0x91A0] =	vst v63  }
0x74: {  	_ = 	snop  }
0x75: {  	[tilespmem:s16], [sflag:$0x1] =	stream.indirect.gather [spmem:s6], $0x40, s20, s4, $0xb8;
	[tilespmem:$0x91A0] =	vst v63  }
0x76: {  	_ = 	snop  }
0x77: {  	[tilespmem:s15], [sflag:$0x1] =	stream.indirect.gather [spmem:s6], $0x40, s21, s4, $0xb8;
	[tilespmem:$0x91A0] =	vst v63  }
0x78: {  	_ = 	snop  }
0x79: {  	[tilespmem:s14], [sflag:$0x1] =	stream.indirect.gather [spmem:s6], $0x40, s22, s4, $0xb8;
	[tilespmem:$0x91A0] =	vst v63  }
0x7a: {  	_ = 	snop  }
0x7b: {  	[tilespmem:s13], [sflag:$0x1] =	stream.indirect.gather [spmem:s6], $0x40, s23, s4, $0xb8;
	[tilespmem:$0x91A0] =	vst v63  }
0x7c: {  	_ = 	snop  }
0x7d: {  	[tilespmem:s10], [sflag:$0x1] =	stream.indirect.gather [spmem:s6], $0x40, s24, s4, $0xb8;
	[tilespmem:$0x91A0] =	vst v63  }
0x7e: {  	_ = 	snop  }
0x7f: {  	[tilespmem:s8], [sflag:$0x1] =	stream.indirect.gather [spmem:s6], $0x40, s25, s4, $0xb8;
	[tilespmem:$0x91A0] =	vst v63  }
0x80: {  	_ = 	snop  }
0x81: {  	[tilespmem:s7], [sflag:$0x1] =	stream.indirect.gather [spmem:s6], $0x40, s26, s4, $0xb8;
	[tilespmem:$0x91A0] =	vst v63  }
0x82: {  	_ =	swait.ge [sflag:s11], $0x1000  }
0x83: {  	[sflag:s11] =	ssyncset.done $0x0  }
0x84: {  	s0 =	rddreg [dreg:$0x7];
	[sflag:s11] =	ssyncadd.s32 $0xFFFFF000  }
0x85: {  	[hbm4b:s0+s4] =	stream.strided.scatter [tilespmem:s17], [sflag:$0x2], $0x1000, s12, s4, $0x38;
	[tilespmem:$0x91A0] =	vst v63  }
0x86: {  	_ =	swait.ge [sflag:s11], $0x1000  }
0x87: {  	[sflag:s11] =	ssyncset.done $0x0  }
0x88: {  	s0 =	rddreg [dreg:$0x8];
	[sflag:s11] =	ssyncadd.s32 $0xFFFFF000  }
0x89: {  	[hbm4b:s0+s4] =	stream.strided.scatter [tilespmem:s16], [sflag:$0x2], $0x1000, s12, s4, $0x38;
	[tilespmem:$0x91A0] =	vst v63  }
0x8a: {  	_ =	swait.ge [sflag:s11], $0x1000  }
0x8b: {  	[sflag:s11] =	ssyncset.done $0x0  }
0x8c: {  	s0 =	rddreg [dreg:$0x9];
	[sflag:s11] =	ssyncadd.s32 $0xFFFFF000  }
0x8d: {  	[hbm4b:s0+s4] =	stream.strided.scatter [tilespmem:s15], [sflag:$0x2], $0x1000, s12, s4, $0x38;
	[tilespmem:$0x91A0] =	vst v63  }
0x8e: {  	_ =	swait.ge [sflag:s11], $0x1000  }
0x8f: {  	[sflag:s11] =	ssyncset.done $0x0  }
0x90: {  	s0 =	rddreg [dreg:$0xa];
	[sflag:s11] =	ssyncadd.s32 $0xFFFFF000  }
0x91: {  	[hbm4b:s0+s4] =	stream.strided.scatter [tilespmem:s14], [sflag:$0x2], $0x1000, s12, s4, $0x38;
	[tilespmem:$0x91A0] =	vst v63  }
0x92: {  	_ =	swait.ge [sflag:s11], $0x1000  }
0x93: {  	[sflag:s11] =	ssyncset.done $0x0  }
0x94: {  	s0 =	rddreg [dreg:$0xb];
	[sflag:s11] =	ssyncadd.s32 $0xFFFFF000  }
0x95: {  	[hbm4b:s0+s4] =	stream.strided.scatter [tilespmem:s13], [sflag:$0x2], $0x1000, s12, s4, $0x38;
	[tilespmem:$0x91A0] =	vst v63  }
0x96: {  	_ =	swait.ge [sflag:s11], $0x1000  }
0x97: {  	[sflag:s11] =	ssyncset.done $0x0  }
0x98: {  	[sflag:s11] =	ssyncadd.s32 $0xFFFFF000  }
0x99: {  	[hbm4b:s5+s4] =	stream.strided.scatter [tilespmem:s10], [sflag:$0x2], $0x1000, s12, s4, $0x38;
	[tilespmem:$0x91A0] =	vst v63  }
0x9a: {  	_ =	swait.ge [sflag:s11], $0x1000  }
0x9b: {  	[sflag:s11] =	ssyncset.done $0x0  }
0x9c: {  	[sflag:s11] =	ssyncadd.s32 $0xFFFFF000  }
0x9d: {  	[hbm4b:s3+s4] =	stream.strided.scatter [tilespmem:s8], [sflag:$0x2], $0x1000, s12, s4, $0x38;
	[tilespmem:$0x91A0] =	vst v63  }
0x9e: {  	_ =	swait.ge [sflag:s11], $0x1000  }
0x9f: {  	[sflag:s11] =	ssyncset.done $0x0  }
0xa0: {  	[sflag:s11] =	ssyncadd.s32 $0xFFFFF000  }
0xa1: {  	[hbm4b:s1+s4] =	stream.strided.scatter [tilespmem:s7], [sflag:$0x2], $0x1000, s12, s4, $0x38;
	[tilespmem:$0x91A0] =	vst v63  }
0xa2: {  	_ =	swait.ge [sflag:s2], $0x1000  }
0xa3: {  	[sflag:s2] =	ssyncset.done $0x0  }
0xa4: {  	[sflag:s2] =	ssyncadd.s32 $0xFFFFF000  }
0xa5: {  	_ =	swait.ge [sflag:s2], $0x1000  }
0xa6: {  	[sflag:s2] =	ssyncset.done $0x0  }
0xa7: {  	[sflag:s2] =	ssyncadd.s32 $0xFFFFF000  }
0xa8: {  	_ =	swait.ge [sflag:s2], $0x1000  }
0xa9: {  	[sflag:s2] =	ssyncset.done $0x0  }
0xaa: {  	[sflag:s2] =	ssyncadd.s32 $0xFFFFF000  }
0xab: {  	_ =	swait.ge [sflag:s2], $0x1000  }
0xac: {  	[sflag:s2] =	ssyncset.done $0x0  }
0xad: {  	[sflag:s2] =	ssyncadd.s32 $0xFFFFF000  }
0xae: {  	_ =	swait.ge [sflag:s2], $0x1000  }
0xaf: {  	[sflag:s2] =	ssyncset.done $0x0  }
0xb0: {  	[sflag:s2] =	ssyncadd.s32 $0xFFFFF000  }
0xb1: {  	_ =	swait.ge [sflag:s2], $0x1000  }
0xb2: {  	s31 =	sadd.s32 $0xFFFFFFFF, s31;
	[sflag:s2] =	ssyncset.done $0x0  }
0xb3: {  	p2 =	sne.s32 s31, $0x0;
	[sflag:s2] =	ssyncadd.s32 $0xFFFFF000  }
.Ltmp2:
0xb4: {  	_ =	swait.ge [sflag:s2], $0x1000;
	(pc) =	sbr.rel @p2 .LBB2_3-.Ltmp2, $4  }
0xb5: {  	[sflag:s2] =	ssyncset.done $0x0  }
0xb6: {  	[sflag:s2] =	ssyncadd.s32 $0xFFFFF000  }
0xb7: {  	_ =	swait.ge [sflag:s2], $0x1000  }
0xb8: {  	s0 =	rddreg [dreg:$0x5];
	[sflag:s2] =	ssyncset.done $0x0  }
0xb9: {  	s30 =	rddreg [dreg:$0x4]  }
.LBB2_5:
0xba: {  	[sflag:s2] =	ssyncadd.s32 @p1 $0xFFFFF000;
	s29 =	simm.s32 @!p0 $0x1C03  }
0xbb: {  	[spmem:s28], [sflag:s29] =	dma.local @!p0 [hbm:s0], $0x1F40  }
0xbc: {  	s0 =	simm.s32 @!p0 $0x3  }
0xbd: {  	_ =	swait.ge @!p0 [sflag:s0], $0x1F40  }
0xbe: {  	[sflag:s0] =	ssyncset.done @!p0 $0x0  }
0xbf: {  	s31 =	rddreg [dreg:$0x6];
	[sflag:s0] =	ssyncadd.s32 @!p0 $0xFFFFE0C0  }
0xc0: {  	[tilespmem:s18], [sflag:$0x3] =	stream.linear.gather [hbm4b:s31+s9], $0x200, $0x38;
	[tilespmem:$0x91A0] =	vst v63  }
0xc1: {  	_ =	swait.ge [sflag:s19], $0x200  }
0xc2: {  	[sflag:s19] =	ssyncset.done $0x0  }
0xc3: {  	[sflag:s19] =	ssyncadd.s32 $0xFFFFFE00  }
0xc4: {  	[bflag:$0x0] =	sbarrier.arrive $0xFFFF  }
0xc5: {  	[tilespmem:s17], [sflag:$0x1] =	stream.indirect.gather [spmem:s6], $0x40, s18, s4, $0xb8;
	[tilespmem:$0x91A0] =	vst v63  }
0xc6: {  	_ = 	snop  }
0xc7: {  	[tilespmem:s16], [sflag:$0x1] =	stream.indirect.gather [spmem:s6], $0x40, s20, s4, $0xb8;
	[tilespmem:$0x91A0] =	vst v63  }
0xc8: {  	_ = 	snop  }
0xc9: {  	[tilespmem:s15], [sflag:$0x1] =	stream.indirect.gather [spmem:s6], $0x40, s21, s4, $0xb8;
	[tilespmem:$0x91A0] =	vst v63  }
0xca: {  	_ = 	snop  }
0xcb: {  	[tilespmem:s14], [sflag:$0x1] =	stream.indirect.gather [spmem:s6], $0x40, s22, s4, $0xb8;
	[tilespmem:$0x91A0] =	vst v63  }
0xcc: {  	_ = 	snop  }
0xcd: {  	[tilespmem:s13], [sflag:$0x1] =	stream.indirect.gather [spmem:s6], $0x40, s23, s4, $0xb8;
	[tilespmem:$0x91A0] =	vst v63  }
0xce: {  	_ = 	snop  }
0xcf: {  	[tilespmem:s10], [sflag:$0x1] =	stream.indirect.gather [spmem:s6], $0x40, s24, s4, $0xb8;
	[tilespmem:$0x91A0] =	vst v63  }
0xd0: {  	_ = 	snop  }
0xd1: {  	[tilespmem:s8], [sflag:$0x1] =	stream.indirect.gather [spmem:s6], $0x40, s25, s4, $0xb8;
	[tilespmem:$0x91A0] =	vst v63  }
0xd2: {  	_ = 	snop  }
0xd3: {  	[tilespmem:s7], [sflag:$0x1] =	stream.indirect.gather [spmem:s6], $0x40, s26, s4, $0xb8;
	[tilespmem:$0x91A0] =	vst v63  }
0xd4: {  	_ =	swait.ge [sflag:s11], $0x1000  }
0xd5: {  	[sflag:s11] =	ssyncset.done $0x0  }
0xd6: {  	s25 =	rddreg [dreg:$0x7];
	[sflag:s11] =	ssyncadd.s32 $0xFFFFF000  }
0xd7: {  	[hbm4b:s25+s4] =	stream.strided.scatter [tilespmem:s17], [sflag:$0x2], $0x1000, s12, s4, $0x38;
	[tilespmem:$0x91A0] =	vst v63  }
0xd8: {  	_ =	swait.ge [sflag:s11], $0x1000  }
0xd9: {  	[sflag:s11] =	ssyncset.done $0x0  }
0xda: {  	s26 =	rddreg [dreg:$0x8];
	[sflag:s11] =	ssyncadd.s32 $0xFFFFF000  }
0xdb: {  	[hbm4b:s26+s4] =	stream.strided.scatter [tilespmem:s16], [sflag:$0x2], $0x1000, s12, s4, $0x38;
	[tilespmem:$0x91A0] =	vst v63  }
0xdc: {  	_ =	swait.ge [sflag:s11], $0x1000  }
0xdd: {  	[sflag:s11] =	ssyncset.done $0x0  }
0xde: {  	s28 =	rddreg [dreg:$0x9];
	[sflag:s11] =	ssyncadd.s32 $0xFFFFF000  }
0xdf: {  	[hbm4b:s28+s4] =	stream.strided.scatter [tilespmem:s15], [sflag:$0x2], $0x1000, s12, s4, $0x38;
	[tilespmem:$0x91A0] =	vst v63  }
0xe0: {  	_ =	swait.ge [sflag:s11], $0x1000  }
0xe1: {  	[sflag:s11] =	ssyncset.done $0x0  }
0xe2: {  	s29 =	rddreg [dreg:$0xa];
	[sflag:s11] =	ssyncadd.s32 $0xFFFFF000  }
0xe3: {  	[hbm4b:s29+s4] =	stream.strided.scatter [tilespmem:s14], [sflag:$0x2], $0x1000, s12, s4, $0x38;
	[tilespmem:$0x91A0] =	vst v63  }
0xe4: {  	_ =	swait.ge [sflag:s11], $0x1000  }
0xe5: {  	[sflag:s11] =	ssyncset.done $0x0  }
0xe6: {  	s31 =	rddreg [dreg:$0xb];
	[sflag:s11] =	ssyncadd.s32 $0xFFFFF000  }
0xe7: {  	[hbm4b:s31+s4] =	stream.strided.scatter [tilespmem:s13], [sflag:$0x2], $0x1000, s12, s4, $0x38;
	[tilespmem:$0x91A0] =	vst v63  }
0xe8: {  	_ =	swait.ge [sflag:s11], $0x1000  }
0xe9: {  	[sflag:s11] =	ssyncset.done $0x0  }
0xea: {  	[sflag:s11] =	ssyncadd.s32 $0xFFFFF000  }
0xeb: {  	[hbm4b:s5+s4] =	stream.strided.scatter [tilespmem:s10], [sflag:$0x2], $0x1000, s12, s4, $0x38;
	[tilespmem:$0x91A0] =	vst v63  }
0xec: {  	_ =	swait.ge [sflag:s11], $0x1000  }
0xed: {  	[sflag:s11] =	ssyncset.done $0x0  }
0xee: {  	[sflag:s11] =	ssyncadd.s32 $0xFFFFF000  }
0xef: {  	[hbm4b:s3+s4] =	stream.strided.scatter [tilespmem:s8], [sflag:$0x2], $0x1000, s12, s4, $0x38;
	[tilespmem:$0x91A0] =	vst v63  }
0xf0: {  	_ =	swait.ge [sflag:s11], $0x1000  }
0xf1: {  	[sflag:s11] =	ssyncset.done $0x0  }
0xf2: {  	[sflag:s11] =	ssyncadd.s32 $0xFFFFF000  }
0xf3: {  	[hbm4b:s1+s4] =	stream.strided.scatter [tilespmem:s7], [sflag:$0x2], $0x1000, s12, s4, $0x38;
	[tilespmem:$0x91A0] =	vst v63  }
0xf4: {  	_ =	swait.ge [sflag:s2], $0x1000  }
0xf5: {  	[sflag:s2] =	ssyncset.done $0x0  }
0xf6: {  	[sflag:s2] =	ssyncadd.s32 $0xFFFFF000  }
0xf7: {  	_ =	swait.ge [sflag:s2], $0x1000  }
0xf8: {  	[sflag:s2] =	ssyncset.done $0x0  }
0xf9: {  	[sflag:s2] =	ssyncadd.s32 $0xFFFFF000  }
0xfa: {  	_ =	swait.ge [sflag:s2], $0x1000  }
0xfb: {  	[sflag:s2] =	ssyncset.done $0x0  }
0xfc: {  	[sflag:s2] =	ssyncadd.s32 $0xFFFFF000  }
0xfd: {  	_ =	swait.ge [sflag:s2], $0x1000  }
0xfe: {  	[sflag:s2] =	ssyncset.done $0x0  }
0xff: {  	[sflag:s2] =	ssyncadd.s32 $0xFFFFF000  }
0x100: {  	_ =	swait.ge [sflag:s2], $0x1000  }
0x101: {  	[sflag:s2] =	ssyncset.done $0x0  }
0x102: {  	[sflag:s2] =	ssyncadd.s32 $0xFFFFF000  }
0x103: {  	_ =	swait.ge [sflag:s2], $0x1000  }
0x104: {  	[sflag:s2] =	ssyncset.done $0x0  }
0x105: {  	[sflag:s2] =	ssyncadd.s32 $0xFFFFF000  }
0x106: {  	_ =	swait.ge [sflag:s2], $0x1000  }
0x107: {  	[sflag:s2] =	ssyncset.done $0x0  }
0x108: {  	[sflag:s2] =	ssyncadd.s32 $0xFFFFF000  }
0x109: {  	_ =	swait.ge [sflag:s2], $0x1000  }
0x10a: {  	[sflag:s2] =	ssyncset.done $0x0  }
0x10b: {  	[sflag:s2] =	ssyncadd.s32 $0xFFFFF000  }
0x10c: {  	_ =	sfence.sel $0x180000  }
0x10d: {  	[bflag:$0x0] =	sbarrier.arrive $0xFFFF  }
0x10e: {  	_ =	strace $0x90000047  }
0x10f: {  	s0 =	sadd.s32 @!p0 $0x100000, s30;
	[bflag:$0x2] =	sbarrier.arrive $0xFFFF  }
0x110: {  	[sflag:s0] =	ssyncadd.tile.s32 @!p0 $0x1;
	_ =	shalt  }
.LBB2_2:
.Ltmp3:
0x111: {  	(pc) =	sbr.rel .LBB2_5-.Ltmp3, $2  }
0x112: {  	_ =	sdelay $0x2  }
0x113: {  	s30 =	rddreg [dreg:$0x4]  }
.Lfunc_end2:
_tile_overlayer_lowered:
.L_overlay_start_2:
0x114: {  	(tag) =	ssettag $0x2  }
0x115: {  	s0 =	rddreg [dreg:$0x0];
	s2 =	stileid.u32  }
0x116: {  	s1 =	rddreg [dreg:$0x1];
	p0 =	sne.s32 s2, $0x0  }
0x117: {  	s3 =	rddreg [dreg:$0x2];
	[bflag:$0x3] =	sbarrier.arrive $0xFFFF;
	s2 =	simm.s32 @!p0 $0x1C03  }
0x118: {  	[timem:s3], [sflag:s2] =	dma.local @!p0 [hbm:s0], s1  }
0x119: {  	s0 =	simm.s32 @!p0 $0x3  }
0x11a: {  	_ =	swait.ge @!p0 [sflag:s0], s1  }
0x11b: {  	s1 =	ssub.s32 @!p0 $0x0, s1;
	[sflag:s0] =	ssyncset.done @!p0 $0x0  }
0x11c: {  	[sflag:s0] =	ssyncadd.s32 @!p0 s1  }
0x11d: {  	[bflag:$0x3] =	sbarrier.arrive $0xFFFF  }
0x11e: {  	_ =	shalt  }

</sc_bundles>
